<compile_context>
chip_gen: v7x
topology: tpu7x:2x2x1
jax: 0.10.2.dev20260603
libtpu: 0.0.44.dev20260713+nightly
codegen_flags: <defaults>
</compile_context>

<pallas_src>
import functools
import jax
import jax.numpy as jnp
from jax import lax
from jax.experimental import pallas as pl
from jax.experimental.pallas import tpu as pltpu
from jax.experimental.pallas import tpu_sc as plsc

HID = 64
VOCAB = 64
ROWS = 4096
COLS = 200
B = ROWS * COLS
NPAIR = B // 2
PW = 4 * HID
NC = 2
NS = 16
NW = NC * NS
PAIRS_PER_W = NPAIR // NW
UNIT = 128
NUNIT = PAIRS_PER_W // UNIT

NBUF = 3
DEPTH = 1


def _prep_body(x_ref, table_ref, w1_ref, b1_ref, w2_ref, b2_ref, gamma_ref,
               beta_ref, ptab_ref, xp_ref):
    h = table_ref[...]
    z = jnp.dot(h, w1_ref[...], preferred_element_type=jnp.float32) + b1_ref[...]
    z = jnp.maximum(z, 0.0)
    ff = jnp.dot(z, w2_ref[...], preferred_element_type=jnp.float32) + b2_ref[...]
    s = h + ff
    mu = jnp.mean(s, axis=-1, keepdims=True)
    var = jnp.mean((s - mu) * (s - mu), axis=-1, keepdims=True)
    shat = (s - mu) * lax.rsqrt(var + 1e-5)
    t = shat * gamma_ref[...] + beta_ref[...]

    b1t = jnp.broadcast_to(t[:, None, :], (VOCAB, VOCAB, HID))
    b2t = jnp.broadcast_to(t[None, :, :], (VOCAB, VOCAB, HID))
    ptab_ref[...] = jnp.concatenate(
        [b1t.reshape(VOCAB * VOCAB, HID),
         b2t.reshape(VOCAB * VOCAB, HID)], axis=1)

    xf = x_ref[...].astype(jnp.float32)
    rows = lax.broadcasted_iota(jnp.int32, (128, 64), 0)
    cols = lax.broadcasted_iota(jnp.int32, (128, 64), 1)
    sel_even = jnp.where(rows == 2 * cols, 1.0, 0.0).astype(jnp.float32)
    sel_odd = jnp.where(rows == 2 * cols + 1, 1.0, 0.0).astype(jnp.float32)
    xe = jnp.dot(xf, sel_even, preferred_element_type=jnp.float32)
    xo = jnp.dot(xf, sel_odd, preferred_element_type=jnp.float32)
    xp_ref[...] = (xe * 64.0 + xo).astype(jnp.int32)


def _prepare(x4, table, w1, b1, w2, b2, gamma, beta):
    return pl.pallas_call(
        _prep_body,
        out_shape=(
            jax.ShapeDtypeStruct((VOCAB * VOCAB, 2 * HID), jnp.float32),
            jax.ShapeDtypeStruct((B // 128, 64), jnp.int32),
        ),
    )(x4, table, w1, b1.reshape(1, -1), w2, b2.reshape(1, -1),
      gamma.reshape(1, -1), beta.reshape(1, -1))


@functools.cache
def _make_gather():
    mesh = plsc.VectorSubcoreMesh(core_axis_name="c", subcore_axis_name="s")

    @functools.partial(
        pl.kernel,
        out_type=jax.ShapeDtypeStruct((NPAIR, PW), jnp.float32),
        mesh=mesh,
        scratch_types=[
            pltpu.VMEM((PAIRS_PER_W,), jnp.int32),
            pltpu.VMEM((NBUF, UNIT, 2 * HID), jnp.float32),
            pltpu.SemaphoreType.DMA,
            pltpu.SemaphoreType.DMA,
        ],
        compiler_params=pltpu.CompilerParams(use_tc_tiling_on_sc=False),
    )
    def _gather(xp_hbm, ptab_hbm, out_hbm, idx_v, rows_v, gsem, ssem):
        wid = lax.axis_index("s") * NC + lax.axis_index("c")
        pltpu.sync_copy(xp_hbm.at[wid], idx_v)
        pair0 = wid * PAIRS_PER_W

        def gather_copy(u, b):
            return pltpu.make_async_copy(
                ptab_hbm.at[idx_v.at[pl.ds(u * UNIT, UNIT)]],
                rows_v.at[b], gsem)

        def scatter_copies(u, b):
            dst = out_hbm.at[pl.ds(pair0 + u * UNIT, UNIT)]
            return (
                pltpu.make_async_copy(
                    rows_v.at[b, slice(None), pl.ds(0, HID)],
                    dst.at[slice(None), pl.ds(0, HID)], ssem),
                pltpu.make_async_copy(
                    rows_v.at[b, slice(None), pl.ds(HID, HID)],
                    dst.at[slice(None), pl.ds(2 * HID, HID)], ssem),
            )

        def body(j, carry):
            @pl.when(j < NUNIT)
            def _():
                b = j % NBUF

                @pl.when(j >= NBUF)
                def _():
                    for c in scatter_copies(j - NBUF, b):
                        c.wait()

                gather_copy(j, b).start()

            @pl.when(j >= DEPTH)
            def _():
                i = j - DEPTH
                bi = i % NBUF
                gather_copy(i, bi).wait()
                for c in scatter_copies(i, bi):
                    c.start()

            return carry

        lax.fori_loop(0, NUNIT + DEPTH, body, 0)

        def drain(j, carry):
            for c in scatter_copies(j, j % NBUF):
                c.wait()
            return carry

        lax.fori_loop(NUNIT - NBUF, NUNIT, drain, 0)

    return _gather


def kernel(x, table, W1, b1, W2, b2, gamma, beta):
    x4 = x.reshape(B // 128, 128).astype(jnp.int32)
    ptab, xp = _prepare(x4, table, W1, b1, W2, b2, gamma, beta)
    xp_w = xp.reshape(NW, PAIRS_PER_W)
    out = _make_gather()(xp_w, ptab)
    return out.reshape(B, 2 * HID)[:, :HID].reshape(ROWS, COLS, HID)

# --- scband reference (transcript-rebuilt; emitter-appended) ---
"""Pipeline reference for scband-encoder-3204045603461 (READ-ONLY COPY).

The authoritative reference and input builder live on the scoring server;
editing this copy changes nothing except your own understanding.
"""

import jax, jax.numpy as jnp
import numpy as np

HIDDEN_DIM = 64
VOCAB_SIZE = 64


def setup_inputs(seed: int = 0) -> dict:
    key = jax.random.key(seed)
    ks = jax.random.split(key, 8)
    x = jax.random.randint(ks[0], (4096, 200), 0, VOCAB_SIZE, dtype=jnp.int64) if jax.config.jax_enable_x64 else jax.random.randint(ks[0], (4096, 200), 0, VOCAB_SIZE, dtype=jnp.int32)
    table = jax.random.normal(ks[1], (VOCAB_SIZE, HIDDEN_DIM), dtype=jnp.float32)
    W1 = jax.random.normal(ks[2], (HIDDEN_DIM, HIDDEN_DIM * 2), dtype=jnp.float32) * (1.0 / np.sqrt(HIDDEN_DIM))
    b1 = jnp.zeros((HIDDEN_DIM * 2,), dtype=jnp.float32)
    W2 = jax.random.normal(ks[3], (HIDDEN_DIM * 2, HIDDEN_DIM), dtype=jnp.float32) * (1.0 / np.sqrt(HIDDEN_DIM * 2))
    b2 = jnp.zeros((HIDDEN_DIM,), dtype=jnp.float32)
    gamma = jnp.ones((HIDDEN_DIM,), dtype=jnp.float32)
    beta = jnp.zeros((HIDDEN_DIM,), dtype=jnp.float32)
    return {"x": x, "table": table, "W1": W1, "b1": b1, "W2": W2, "b2": b2, "gamma": gamma, "beta": beta}


def _layer_norm(z, gamma, beta, eps=1e-5):
    mu = jnp.mean(z, axis=-1, keepdims=True)
    var = jnp.var(z, axis=-1, keepdims=True)
    zhat = (z - mu) / jnp.sqrt(var + eps)
    return zhat * gamma + beta


def reference(x, table, W1, b1, W2, b2, gamma, beta):
    # h = embed(x)
    h = jnp.take(table, x, axis=0)
    # ff(h) = Linear -> ReLU -> Linear
    ff = jnp.maximum(h @ W1 + b1, 0.0) @ W2 + b2
    # norm(h + ff(h))
    return _layer_norm(h + ff, gamma, beta)

if __name__ == "__main__":
    import jax
    _d = setup_inputs()
    print(jax.jit(kernel)(*tuple(_d.values())))

</pallas_src>

<mosaic_0001>
#map = affine_map<(d0, d1) -> (0, 0)>
module attributes {stable_mosaic.version = 14 : i64} {
  func.func @_gather(%arg0: i32, %arg1: i32, %arg2: memref<32x12800xi32, #tpu.memory_space<hbm>>, %arg3: memref<4096x128xf32, #tpu.memory_space<hbm>>, %arg4: memref<409600x256xf32, #tpu.memory_space<hbm>>, %arg5: memref<12800xi32, #tpu.memory_space<vmem>>, %arg6: memref<3x128x128xf32, #tpu.memory_space<vmem>>, %arg7: memref<!tpu.dma_semaphore, #tpu.memory_space<semaphore_mem>>, %arg8: memref<!tpu.dma_semaphore, #tpu.memory_space<semaphore_mem>>) attributes {dimension_semantics = [#tpu.dimension_semantics<core_parallel>, #tpu.dimension_semantics<subcore_parallel>], iteration_bounds = array<i64: 2, 16>, scalar_prefetch = 0 : i64, scratch_operands = 4 : i64, tpu.core_type = #tpu.core_type<sc_vector_subcore>, window_params = [{transform_indices = #map}, {transform_indices = #map}, {transform_indices = #map}]} {
    %mul3A = arith.constant 2 : i32
    %mul3A_0 = arith.muli %arg1, %mul3A : i32
    %add3A = arith.addi %mul3A_0, %arg0 : i32
    "tpu.region"() ({
      %run_scoped3A = tpu.sem_alloc : memref<!tpu.dma_semaphore, #tpu.memory_space<semaphore_mem>>
      %dma_start3A = arith.constant 0 : i32
      %dma_start3A_14 = tpu.memref_slice %arg2[%add3A, %dma_start3A] : memref<32x12800xi32, #tpu.memory_space<hbm>> -> memref<1x12800xi32, #tpu.memory_space<hbm>>
      %dma_start3A_15 = tpu.memref_squeeze %dma_start3A_14 : memref<1x12800xi32, #tpu.memory_space<hbm>> -> memref<12800xi32, #tpu.memory_space<hbm>>
      %dma_start3A_16 = arith.constant 0 : i32
      %dma_start3A_17 = tpu.memref_slice %arg2[%add3A, %dma_start3A_16] : memref<32x12800xi32, #tpu.memory_space<hbm>> -> memref<1x12800xi32, #tpu.memory_space<hbm>>
      %dma_start3A_18 = tpu.memref_squeeze %dma_start3A_17 : memref<1x12800xi32, #tpu.memory_space<hbm>> -> memref<12800xi32, #tpu.memory_space<hbm>>
      tpu.enqueue_dma source(%dma_start3A_18 : memref<12800xi32, #tpu.memory_space<hbm>>) target(%arg5 : memref<12800xi32, #tpu.memory_space<vmem>>) target_semaphore(%run_scoped3A : memref<!tpu.dma_semaphore, #tpu.memory_space<semaphore_mem>>)
      %dma_wait3A = arith.constant 0 : i32
      %dma_wait3A_19 = tpu.memref_slice %arg2[%add3A, %dma_wait3A] : memref<32x12800xi32, #tpu.memory_space<hbm>> -> memref<1x12800xi32, #tpu.memory_space<hbm>>
      %dma_wait3A_20 = tpu.memref_squeeze %dma_wait3A_19 : memref<1x12800xi32, #tpu.memory_space<hbm>> -> memref<12800xi32, #tpu.memory_space<hbm>>
      %dma_wait3A_21 = arith.constant 0 : i32
      %dma_wait3A_22 = tpu.memref_slice %arg2[%add3A, %dma_wait3A_21] : memref<32x12800xi32, #tpu.memory_space<hbm>> -> memref<1x12800xi32, #tpu.memory_space<hbm>>
      %dma_wait3A_23 = tpu.memref_squeeze %dma_wait3A_22 : memref<1x12800xi32, #tpu.memory_space<hbm>> -> memref<12800xi32, #tpu.memory_space<hbm>>
      tpu.wait_dma2 semaphore(%run_scoped3A : memref<!tpu.dma_semaphore, #tpu.memory_space<semaphore_mem>>) src(%dma_wait3A_23 : memref<12800xi32, #tpu.memory_space<hbm>>) dst(%arg5 : memref<12800xi32, #tpu.memory_space<vmem>>)
      tpu.yield
    }) : () -> ()
    %mul3A_1 = arith.constant 12800 : i32
    %mul3A_2 = arith.muli %add3A, %mul3A_1 : i32
    %scan3A = arith.constant 0 : i32
    %scan3A_3 = arith.constant 0 : i32
    %scan3A_4 = arith.constant 101 : i32
    %scan3A_5 = arith.addi %scan3A_3, %scan3A_4 : i32
    %scan3A_6 = arith.constant 1 : i32
    scf.for %scan3A_14 = %scan3A_3 to %scan3A_5 step %scan3A_6  : i32 {
      %lt3A = arith.constant 100 : i32
      %lt3A_15 = arith.cmpi slt, %scan3A_14, %lt3A : i32
      %convert_element_type3A = arith.extui %lt3A_15 : i1 to i32
      %cond3A = arith.constant 0 : i32
      %cond3A_16 = arith.cmpi ne, %convert_element_type3A, %cond3A : i32
      scf.if %cond3A_16 {
        %jit3A = arith.constant 3 : i32
        %eq3A = arith.constant 0 : i32
        %eq3A_21 = arith.cmpi eq, %jit3A, %eq3A : i32
        %jit3A_22 = arith.constant 1 : i32
        %select_n3A = arith.select %eq3A_21, %jit3A_22, %jit3A : i32
        %rem3A = arith.remsi %scan3A_14, %select_n3A : i32
        %ne3A = arith.constant 0 : i32
        %ne3A_23 = arith.cmpi ne, %rem3A, %ne3A : i32
        %lt3A_24 = arith.constant 0 : i32
        %lt3A_25 = arith.cmpi slt, %rem3A, %lt3A_24 : i32
        %lt3A_26 = arith.constant 0 : i32
        %lt3A_27 = arith.cmpi slt, %select_n3A, %lt3A_26 : i32
        %ne3A_28 = arith.xori %lt3A_25, %lt3A_27 : i1
        %and3A = arith.andi %ne3A_28, %ne3A_23 : i1
        %add3A_29 = arith.addi %rem3A, %select_n3A : i32
        %select_n3A_30 = arith.select %and3A, %add3A_29, %rem3A : i32
        %ge3A_31 = arith.constant 3 : i32
        %ge3A_32 = arith.cmpi sge, %scan3A_14, %ge3A_31 : i32
        %convert_element_type3A_33 = arith.extui %ge3A_32 : i1 to i32
        %cond3A_34 = arith.constant 0 : i32
        %cond3A_35 = arith.cmpi ne, %convert_element_type3A_33, %cond3A_34 : i32
        scf.if %cond3A_35 {
          %sub3A = arith.constant 3 : i32
          %sub3A_45 = arith.subi %scan3A_14, %sub3A : i32
          %mul3A_46 = arith.constant 128 : i32
          %mul3A_47 = arith.muli %sub3A_45, %mul3A_46 : i32
          %add3A_48 = arith.addi %mul3A_2, %mul3A_47 : i32
          %dma_wait3A = arith.constant 0 : i32
          %dma_wait3A_49 = arith.constant 0 : i32
          %dma_wait3A_50 = tpu.memref_slice %arg6[%select_n3A_30, %dma_wait3A, %dma_wait3A_49] : memref<3x128x128xf32, #tpu.memory_space<vmem>> -> memref<1x128x64xf32, #tpu.memory_space<vmem>>
          %dma_wait3A_51 = tpu.memref_squeeze %dma_wait3A_50 : memref<1x128x64xf32, #tpu.memory_space<vmem>> -> memref<128x64xf32, #tpu.memory_space<vmem>>
          %dma_wait3A_52 = arith.constant 0 : i32
          %dma_wait3A_53 = tpu.memref_slice %arg4[%add3A_48, %dma_wait3A_52] : memref<409600x256xf32, #tpu.memory_space<hbm>> -> memref<128x256xf32, #tpu.memory_space<hbm>>
          %dma_wait3A_54 = arith.constant 0 : i32
          %dma_wait3A_55 = arith.constant 0 : i32
          %dma_wait3A_56 = tpu.memref_slice %dma_wait3A_53[%dma_wait3A_54, %dma_wait3A_55] : memref<128x256xf32, #tpu.memory_space<hbm>> -> memref<128x64xf32, #tpu.memory_space<hbm>>
          %dma_wait3A_57 = arith.constant 0 : i32
          %dma_wait3A_58 = tpu.memref_slice %arg4[%add3A_48, %dma_wait3A_57] : memref<409600x256xf32, #tpu.memory_space<hbm>> -> memref<128x256xf32, #tpu.memory_space<hbm>>
          %dma_wait3A_59 = arith.constant 0 : i32
          %dma_wait3A_60 = arith.constant 0 : i32
          %dma_wait3A_61 = tpu.memref_slice %dma_wait3A_58[%dma_wait3A_59, %dma_wait3A_60] : memref<128x256xf32, #tpu.memory_space<hbm>> -> memref<128x64xf32, #tpu.memory_space<hbm>>
          %dma_wait3A_62 = arith.constant 0 : i32
          %dma_wait3A_63 = arith.constant 0 : i32
          %dma_wait3A_64 = tpu.memref_slice %arg6[%select_n3A_30, %dma_wait3A_62, %dma_wait3A_63] : memref<3x128x128xf32, #tpu.memory_space<vmem>> -> memref<1x128x64xf32, #tpu.memory_space<vmem>>
          %dma_wait3A_65 = tpu.memref_squeeze %dma_wait3A_64 : memref<1x128x64xf32, #tpu.memory_space<vmem>> -> memref<128x64xf32, #tpu.memory_space<vmem>>
          tpu.wait_dma2 semaphore(%arg8 : memref<!tpu.dma_semaphore, #tpu.memory_space<semaphore_mem>>) src(%dma_wait3A_65 : memref<128x64xf32, #tpu.memory_space<vmem>>) dst(%dma_wait3A_61 : memref<128x64xf32, #tpu.memory_space<hbm>>)
          %dma_wait3A_66 = arith.constant 0 : i32
          %dma_wait3A_67 = arith.constant 64 : i32
          %dma_wait3A_68 = tpu.memref_slice %arg6[%select_n3A_30, %dma_wait3A_66, %dma_wait3A_67] : memref<3x128x128xf32, #tpu.memory_space<vmem>> -> memref<1x128x64xf32, #tpu.memory_space<vmem>>
          %dma_wait3A_69 = tpu.memref_squeeze %dma_wait3A_68 : memref<1x128x64xf32, #tpu.memory_space<vmem>> -> memref<128x64xf32, #tpu.memory_space<vmem>>
          %dma_wait3A_70 = arith.constant 0 : i32
          %dma_wait3A_71 = tpu.memref_slice %arg4[%add3A_48, %dma_wait3A_70] : memref<409600x256xf32, #tpu.memory_space<hbm>> -> memref<128x256xf32, #tpu.memory_space<hbm>>
          %dma_wait3A_72 = arith.constant 0 : i32
          %dma_wait3A_73 = arith.constant 128 : i32
          %dma_wait3A_74 = tpu.memref_slice %dma_wait3A_71[%dma_wait3A_72, %dma_wait3A_73] : memref<128x256xf32, #tpu.memory_space<hbm>> -> memref<128x64xf32, #tpu.memory_space<hbm>>
          %dma_wait3A_75 = arith.constant 0 : i32
          %dma_wait3A_76 = tpu.memref_slice %arg4[%add3A_48, %dma_wait3A_75] : memref<409600x256xf32, #tpu.memory_space<hbm>> -> memref<128x256xf32, #tpu.memory_space<hbm>>
          %dma_wait3A_77 = arith.constant 0 : i32
          %dma_wait3A_78 = arith.constant 128 : i32
          %dma_wait3A_79 = tpu.memref_slice %dma_wait3A_76[%dma_wait3A_77, %dma_wait3A_78] : memref<128x256xf32, #tpu.memory_space<hbm>> -> memref<128x64xf32, #tpu.memory_space<hbm>>
          %dma_wait3A_80 = arith.constant 0 : i32
          %dma_wait3A_81 = arith.constant 64 : i32
          %dma_wait3A_82 = tpu.memref_slice %arg6[%select_n3A_30, %dma_wait3A_80, %dma_wait3A_81] : memref<3x128x128xf32, #tpu.memory_space<vmem>> -> memref<1x128x64xf32, #tpu.memory_space<vmem>>
          %dma_wait3A_83 = tpu.memref_squeeze %dma_wait3A_82 : memref<1x128x64xf32, #tpu.memory_space<vmem>> -> memref<128x64xf32, #tpu.memory_space<vmem>>
          tpu.wait_dma2 semaphore(%arg8 : memref<!tpu.dma_semaphore, #tpu.memory_space<semaphore_mem>>) src(%dma_wait3A_83 : memref<128x64xf32, #tpu.memory_space<vmem>>) dst(%dma_wait3A_79 : memref<128x64xf32, #tpu.memory_space<hbm>>)
        } else {
        }
        %mul3A_36 = arith.constant 128 : i32
        %mul3A_37 = arith.muli %scan3A_14, %mul3A_36 : i32
        %dma_start3A = arith.constant 0 : i32
        %dma_start3A_38 = arith.constant 0 : i32
        %dma_start3A_39 = tpu.memref_slice %arg6[%select_n3A_30, %dma_start3A, %dma_start3A_38] : memref<3x128x128xf32, #tpu.memory_space<vmem>> -> memref<1x128x128xf32, #tpu.memory_space<vmem>>
        %dma_start3A_40 = tpu.memref_squeeze %dma_start3A_39 : memref<1x128x128xf32, #tpu.memory_space<vmem>> -> memref<128x128xf32, #tpu.memory_space<vmem>>
        %dma_start3A_41 = tpu.memref_slice %arg5[%mul3A_37] : memref<12800xi32, #tpu.memory_space<vmem>> -> memref<128xi32, #tpu.memory_space<vmem>>
        %dma_start3A_42 = arith.constant 0 : i32
        %dma_start3A_43 = arith.constant 0 : i32
        %dma_start3A_44 = tpu.memref_slice %arg3[%dma_start3A_42, %dma_start3A_43] : memref<4096x128xf32, #tpu.memory_space<hbm>> -> memref<4096x128xf32, #tpu.memory_space<hbm>>
        tpu.enqueue_indirect_dma source(%dma_start3A_44 : memref<4096x128xf32, #tpu.memory_space<hbm>>) target(%dma_start3A_40 : memref<128x128xf32, #tpu.memory_space<vmem>>) offsets(%dma_start3A_41 : memref<128xi32, #tpu.memory_space<vmem>>) semaphore(%arg7 : memref<!tpu.dma_semaphore, #tpu.memory_space<semaphore_mem>>)
      } else {
      }
      %ge3A = arith.constant 1 : i32
      %ge3A_17 = arith.cmpi sge, %scan3A_14, %ge3A : i32
      %convert_element_type3A_18 = arith.extui %ge3A_17 : i1 to i32
      %cond3A_19 = arith.constant 0 : i32
      %cond3A_20 = arith.cmpi ne, %convert_element_type3A_18, %cond3A_19 : i32
      scf.if %cond3A_20 {
        %sub3A = arith.constant 1 : i32
        %sub3A_21 = arith.subi %scan3A_14, %sub3A : i32
        %jit3A = arith.constant 3 : i32
        %eq3A = arith.constant 0 : i32
        %eq3A_22 = arith.cmpi eq, %jit3A, %eq3A : i32
        %jit3A_23 = arith.constant 1 : i32
        %select_n3A = arith.select %eq3A_22, %jit3A_23, %jit3A : i32
        %rem3A = arith.remsi %sub3A_21, %select_n3A : i32
        %ne3A = arith.constant 0 : i32
        %ne3A_24 = arith.cmpi ne, %rem3A, %ne3A : i32
        %lt3A_25 = arith.constant 0 : i32
        %lt3A_26 = arith.cmpi slt, %rem3A, %lt3A_25 : i32
        %lt3A_27 = arith.constant 0 : i32
        %lt3A_28 = arith.cmpi slt, %select_n3A, %lt3A_27 : i32
        %ne3A_29 = arith.xori %lt3A_26, %lt3A_28 : i1
        %and3A = arith.andi %ne3A_29, %ne3A_24 : i1
        %add3A_30 = arith.addi %rem3A, %select_n3A : i32
        %select_n3A_31 = arith.select %and3A, %add3A_30, %rem3A : i32
        %mul3A_32 = arith.constant 128 : i32
        %mul3A_33 = arith.muli %sub3A_21, %mul3A_32 : i32
        %dma_wait3A = arith.constant 0 : i32
        %dma_wait3A_34 = arith.constant 0 : i32
        %dma_wait3A_35 = tpu.memref_slice %arg6[%select_n3A_31, %dma_wait3A, %dma_wait3A_34] : memref<3x128x128xf32, #tpu.memory_space<vmem>> -> memref<1x128x128xf32, #tpu.memory_space<vmem>>
        %dma_wait3A_36 = tpu.memref_squeeze %dma_wait3A_35 : memref<1x128x128xf32, #tpu.memory_space<vmem>> -> memref<128x128xf32, #tpu.memory_space<vmem>>
        %dma_wait3A_37 = tpu.memref_slice %arg5[%mul3A_33] : memref<12800xi32, #tpu.memory_space<vmem>> -> memref<128xi32, #tpu.memory_space<vmem>>
        %dma_wait3A_38 = arith.constant 0 : i32
        %dma_wait3A_39 = arith.constant 0 : i32
        %dma_wait3A_40 = tpu.memref_slice %arg3[%dma_wait3A_38, %dma_wait3A_39] : memref<4096x128xf32, #tpu.memory_space<hbm>> -> memref<4096x128xf32, #tpu.memory_space<hbm>>
        tpu.wait_indirect_dma semaphore(%arg7 : memref<!tpu.dma_semaphore, #tpu.memory_space<semaphore_mem>>) src(%dma_wait3A_40 : memref<4096x128xf32, #tpu.memory_space<hbm>>) dst(%dma_wait3A_36 : memref<128x128xf32, #tpu.memory_space<vmem>>)
        %mul3A_41 = arith.constant 128 : i32
        %mul3A_42 = arith.muli %sub3A_21, %mul3A_41 : i32
        %add3A_43 = arith.addi %mul3A_2, %mul3A_42 : i32
        %dma_start3A = arith.constant 0 : i32
        %dma_start3A_44 = arith.constant 0 : i32
        %dma_start3A_45 = tpu.memref_slice %arg6[%select_n3A_31, %dma_start3A, %dma_start3A_44] : memref<3x128x128xf32, #tpu.memory_space<vmem>> -> memref<1x128x64xf32, #tpu.memory_space<vmem>>
        %dma_start3A_46 = tpu.memref_squeeze %dma_start3A_45 : memref<1x128x64xf32, #tpu.memory_space<vmem>> -> memref<128x64xf32, #tpu.memory_space<vmem>>
        %dma_start3A_47 = arith.constant 0 : i32
        %dma_start3A_48 = tpu.memref_slice %arg4[%add3A_43, %dma_start3A_47] : memref<409600x256xf32, #tpu.memory_space<hbm>> -> memref<128x256xf32, #tpu.memory_space<hbm>>
        %dma_start3A_49 = arith.constant 0 : i32
        %dma_start3A_50 = arith.constant 0 : i32
        %dma_start3A_51 = tpu.memref_slice %dma_start3A_48[%dma_start3A_49, %dma_start3A_50] : memref<128x256xf32, #tpu.memory_space<hbm>> -> memref<128x64xf32, #tpu.memory_space<hbm>>
        %dma_start3A_52 = arith.constant 0 : i32
        %dma_start3A_53 = tpu.memref_slice %arg4[%add3A_43, %dma_start3A_52] : memref<409600x256xf32, #tpu.memory_space<hbm>> -> memref<128x256xf32, #tpu.memory_space<hbm>>
        %dma_start3A_54 = arith.constant 0 : i32
        %dma_start3A_55 = arith.constant 0 : i32
        %dma_start3A_56 = tpu.memref_slice %dma_start3A_53[%dma_start3A_54, %dma_start3A_55] : memref<128x256xf32, #tpu.memory_space<hbm>> -> memref<128x64xf32, #tpu.memory_space<hbm>>
        %dma_start3A_57 = arith.constant 0 : i32
        %dma_start3A_58 = arith.constant 0 : i32
        %dma_start3A_59 = tpu.memref_slice %arg6[%select_n3A_31, %dma_start3A_57, %dma_start3A_58] : memref<3x128x128xf32, #tpu.memory_space<vmem>> -> memref<1x128x64xf32, #tpu.memory_space<vmem>>
        %dma_start3A_60 = tpu.memref_squeeze %dma_start3A_59 : memref<1x128x64xf32, #tpu.memory_space<vmem>> -> memref<128x64xf32, #tpu.memory_space<vmem>>
        tpu.enqueue_dma source(%dma_start3A_60 : memref<128x64xf32, #tpu.memory_space<vmem>>) target(%dma_start3A_56 : memref<128x64xf32, #tpu.memory_space<hbm>>) target_semaphore(%arg8 : memref<!tpu.dma_semaphore, #tpu.memory_space<semaphore_mem>>)
        %dma_start3A_61 = arith.constant 0 : i32
        %dma_start3A_62 = arith.constant 64 : i32
        %dma_start3A_63 = tpu.memref_slice %arg6[%select_n3A_31, %dma_start3A_61, %dma_start3A_62] : memref<3x128x128xf32, #tpu.memory_space<vmem>> -> memref<1x128x64xf32, #tpu.memory_space<vmem>>
        %dma_start3A_64 = tpu.memref_squeeze %dma_start3A_63 : memref<1x128x64xf32, #tpu.memory_space<vmem>> -> memref<128x64xf32, #tpu.memory_space<vmem>>
        %dma_start3A_65 = arith.constant 0 : i32
        %dma_start3A_66 = tpu.memref_slice %arg4[%add3A_43, %dma_start3A_65] : memref<409600x256xf32, #tpu.memory_space<hbm>> -> memref<128x256xf32, #tpu.memory_space<hbm>>
        %dma_start3A_67 = arith.constant 0 : i32
        %dma_start3A_68 = arith.constant 128 : i32
        %dma_start3A_69 = tpu.memref_slice %dma_start3A_66[%dma_start3A_67, %dma_start3A_68] : memref<128x256xf32, #tpu.memory_space<hbm>> -> memref<128x64xf32, #tpu.memory_space<hbm>>
        %dma_start3A_70 = arith.constant 0 : i32
        %dma_start3A_71 = tpu.memref_slice %arg4[%add3A_43, %dma_start3A_70] : memref<409600x256xf32, #tpu.memory_space<hbm>> -> memref<128x256xf32, #tpu.memory_space<hbm>>
        %dma_start3A_72 = arith.constant 0 : i32
        %dma_start3A_73 = arith.constant 128 : i32
        %dma_start3A_74 = tpu.memref_slice %dma_start3A_71[%dma_start3A_72, %dma_start3A_73] : memref<128x256xf32, #tpu.memory_space<hbm>> -> memref<128x64xf32, #tpu.memory_space<hbm>>
        %dma_start3A_75 = arith.constant 0 : i32
        %dma_start3A_76 = arith.constant 64 : i32
        %dma_start3A_77 = tpu.memref_slice %arg6[%select_n3A_31, %dma_start3A_75, %dma_start3A_76] : memref<3x128x128xf32, #tpu.memory_space<vmem>> -> memref<1x128x64xf32, #tpu.memory_space<vmem>>
        %dma_start3A_78 = tpu.memref_squeeze %dma_start3A_77 : memref<1x128x64xf32, #tpu.memory_space<vmem>> -> memref<128x64xf32, #tpu.memory_space<vmem>>
        tpu.enqueue_dma source(%dma_start3A_78 : memref<128x64xf32, #tpu.memory_space<vmem>>) target(%dma_start3A_74 : memref<128x64xf32, #tpu.memory_space<hbm>>) target_semaphore(%arg8 : memref<!tpu.dma_semaphore, #tpu.memory_space<semaphore_mem>>)
      } else {
      }
    }
    %scan3A_7 = arith.constant 101 : i32
    %scan3A_8 = arith.constant 0 : i32
    %scan3A_9 = arith.constant 97 : i32
    %scan3A_10 = arith.constant 3 : i32
    %scan3A_11 = arith.addi %scan3A_9, %scan3A_10 : i32
    %scan3A_12 = arith.constant 1 : i32
    scf.for %scan3A_14 = %scan3A_9 to %scan3A_11 step %scan3A_12  : i32 {
      %jit3A = arith.constant 3 : i32
      %eq3A = arith.constant 0 : i32
      %eq3A_15 = arith.cmpi eq, %jit3A, %eq3A : i32
      %jit3A_16 = arith.constant 1 : i32
      %select_n3A = arith.select %eq3A_15, %jit3A_16, %jit3A : i32
      %rem3A = arith.remsi %scan3A_14, %select_n3A : i32
      %ne3A = arith.constant 0 : i32
      %ne3A_17 = arith.cmpi ne, %rem3A, %ne3A : i32
      %lt3A = arith.constant 0 : i32
      %lt3A_18 = arith.cmpi slt, %rem3A, %lt3A : i32
      %lt3A_19 = arith.constant 0 : i32
      %lt3A_20 = arith.cmpi slt, %select_n3A, %lt3A_19 : i32
      %ne3A_21 = arith.xori %lt3A_18, %lt3A_20 : i1
      %and3A = arith.andi %ne3A_21, %ne3A_17 : i1
      %add3A_22 = arith.addi %rem3A, %select_n3A : i32
      %select_n3A_23 = arith.select %and3A, %add3A_22, %rem3A : i32
      %mul3A_24 = arith.constant 128 : i32
      %mul3A_25 = arith.muli %scan3A_14, %mul3A_24 : i32
      %add3A_26 = arith.addi %mul3A_2, %mul3A_25 : i32
      %dma_wait3A = arith.constant 0 : i32
      %dma_wait3A_27 = arith.constant 0 : i32
      %dma_wait3A_28 = tpu.memref_slice %arg6[%select_n3A_23, %dma_wait3A, %dma_wait3A_27] : memref<3x128x128xf32, #tpu.memory_space<vmem>> -> memref<1x128x64xf32, #tpu.memory_space<vmem>>
      %dma_wait3A_29 = tpu.memref_squeeze %dma_wait3A_28 : memref<1x128x64xf32, #tpu.memory_space<vmem>> -> memref<128x64xf32, #tpu.memory_space<vmem>>
      %dma_wait3A_30 = arith.constant 0 : i32
      %dma_wait3A_31 = tpu.memref_slice %arg4[%add3A_26, %dma_wait3A_30] : memref<409600x256xf32, #tpu.memory_space<hbm>> -> memref<128x256xf32, #tpu.memory_space<hbm>>
      %dma_wait3A_32 = arith.constant 0 : i32
      %dma_wait3A_33 = arith.constant 0 : i32
      %dma_wait3A_34 = tpu.memref_slice %dma_wait3A_31[%dma_wait3A_32, %dma_wait3A_33] : memref<128x256xf32, #tpu.memory_space<hbm>> -> memref<128x64xf32, #tpu.memory_space<hbm>>
      %dma_wait3A_35 = arith.constant 0 : i32
      %dma_wait3A_36 = tpu.memref_slice %arg4[%add3A_26, %dma_wait3A_35] : memref<409600x256xf32, #tpu.memory_space<hbm>> -> memref<128x256xf32, #tpu.memory_space<hbm>>
      %dma_wait3A_37 = arith.constant 0 : i32
      %dma_wait3A_38 = arith.constant 0 : i32
      %dma_wait3A_39 = tpu.memref_slice %dma_wait3A_36[%dma_wait3A_37, %dma_wait3A_38] : memref<128x256xf32, #tpu.memory_space<hbm>> -> memref<128x64xf32, #tpu.memory_space<hbm>>
      %dma_wait3A_40 = arith.constant 0 : i32
      %dma_wait3A_41 = arith.constant 0 : i32
      %dma_wait3A_42 = tpu.memref_slice %arg6[%select_n3A_23, %dma_wait3A_40, %dma_wait3A_41] : memref<3x128x128xf32, #tpu.memory_space<vmem>> -> memref<1x128x64xf32, #tpu.memory_space<vmem>>
      %dma_wait3A_43 = tpu.memref_squeeze %dma_wait3A_42 : memref<1x128x64xf32, #tpu.memory_space<vmem>> -> memref<128x64xf32, #tpu.memory_space<vmem>>
      tpu.wait_dma2 semaphore(%arg8 : memref<!tpu.dma_semaphore, #tpu.memory_space<semaphore_mem>>) src(%dma_wait3A_43 : memref<128x64xf32, #tpu.memory_space<vmem>>) dst(%dma_wait3A_39 : memref<128x64xf32, #tpu.memory_space<hbm>>)
      %dma_wait3A_44 = arith.constant 0 : i32
      %dma_wait3A_45 = arith.constant 64 : i32
      %dma_wait3A_46 = tpu.memref_slice %arg6[%select_n3A_23, %dma_wait3A_44, %dma_wait3A_45] : memref<3x128x128xf32, #tpu.memory_space<vmem>> -> memref<1x128x64xf32, #tpu.memory_space<vmem>>
      %dma_wait3A_47 = tpu.memref_squeeze %dma_wait3A_46 : memref<1x128x64xf32, #tpu.memory_space<vmem>> -> memref<128x64xf32, #tpu.memory_space<vmem>>
      %dma_wait3A_48 = arith.constant 0 : i32
      %dma_wait3A_49 = tpu.memref_slice %arg4[%add3A_26, %dma_wait3A_48] : memref<409600x256xf32, #tpu.memory_space<hbm>> -> memref<128x256xf32, #tpu.memory_space<hbm>>
      %dma_wait3A_50 = arith.constant 0 : i32
      %dma_wait3A_51 = arith.constant 128 : i32
      %dma_wait3A_52 = tpu.memref_slice %dma_wait3A_49[%dma_wait3A_50, %dma_wait3A_51] : memref<128x256xf32, #tpu.memory_space<hbm>> -> memref<128x64xf32, #tpu.memory_space<hbm>>
      %dma_wait3A_53 = arith.constant 0 : i32
      %dma_wait3A_54 = tpu.memref_slice %arg4[%add3A_26, %dma_wait3A_53] : memref<409600x256xf32, #tpu.memory_space<hbm>> -> memref<128x256xf32, #tpu.memory_space<hbm>>
      %dma_wait3A_55 = arith.constant 0 : i32
      %dma_wait3A_56 = arith.constant 128 : i32
      %dma_wait3A_57 = tpu.memref_slice %dma_wait3A_54[%dma_wait3A_55, %dma_wait3A_56] : memref<128x256xf32, #tpu.memory_space<hbm>> -> memref<128x64xf32, #tpu.memory_space<hbm>>
      %dma_wait3A_58 = arith.constant 0 : i32
      %dma_wait3A_59 = arith.constant 64 : i32
      %dma_wait3A_60 = tpu.memref_slice %arg6[%select_n3A_23, %dma_wait3A_58, %dma_wait3A_59] : memref<3x128x128xf32, #tpu.memory_space<vmem>> -> memref<1x128x64xf32, #tpu.memory_space<vmem>>
      %dma_wait3A_61 = tpu.memref_squeeze %dma_wait3A_60 : memref<1x128x64xf32, #tpu.memory_space<vmem>> -> memref<128x64xf32, #tpu.memory_space<vmem>>
      tpu.wait_dma2 semaphore(%arg8 : memref<!tpu.dma_semaphore, #tpu.memory_space<semaphore_mem>>) src(%dma_wait3A_61 : memref<128x64xf32, #tpu.memory_space<vmem>>) dst(%dma_wait3A_57 : memref<128x64xf32, #tpu.memory_space<hbm>>)
    }
    %scan3A_13 = arith.constant 3 : i32
    return
  }
}

module attributes {stable_mosaic.version = 14 : i64} {
  func.func @_prep_body(%arg0: memref<6400x128xi32, #tpu.memory_space<vmem>>, %arg1: memref<64x64xf32, #tpu.memory_space<vmem>>, %arg2: memref<64x128xf32, #tpu.memory_space<vmem>>, %arg3: memref<1x128xf32, #tpu.memory_space<vmem>>, %arg4: memref<128x64xf32, #tpu.memory_space<vmem>>, %arg5: memref<1x64xf32, #tpu.memory_space<vmem>>, %arg6: memref<1x64xf32, #tpu.memory_space<vmem>>, %arg7: memref<1x64xf32, #tpu.memory_space<vmem>>, %arg8: memref<4096x128xf32, #tpu.memory_space<vmem>>, %arg9: memref<6400x64xi32, #tpu.memory_space<vmem>>) attributes {dimension_semantics = [], scalar_prefetch = 0 : i64, scratch_operands = 0 : i64, tpu.core_type = #tpu.core_type<tc>} {
    %get3A = arith.constant 0 : index
    %get3A_0 = arith.constant 0 : index
    %get3A_1 = vector.load %arg1[%get3A, %get3A_0] : memref<64x64xf32, #tpu.memory_space<vmem>>, vector<64x64xf32>
    %get3A_2 = arith.constant 0 : index
    %get3A_3 = arith.constant 0 : index
    %get3A_4 = vector.load %arg2[%get3A_2, %get3A_3] : memref<64x128xf32, #tpu.memory_space<vmem>>, vector<64x128xf32>
    %dot_general3A = arith.constant dense<0.000000e+00> : vector<64x128xf32>
    %dot_general3A_5 = tpu.matmul %get3A_1, %get3A_4, %dot_general3A {dimension_numbers = #tpu.dot_dimension_numbers<[1], [0], [0], [1], [0, 0, 1, 1], [], []>, transpose_lhs_hint = false} : vector<64x64xf32>, vector<64x128xf32>, vector<64x128xf32> -> vector<64x128xf32>
    %get3A_6 = arith.constant 0 : index
    %get3A_7 = arith.constant 0 : index
    %get3A_8 = vector.load %arg3[%get3A_6, %get3A_7] : memref<1x128xf32, #tpu.memory_space<vmem>>, vector<1x128xf32>
    %add3A = vector.broadcast %get3A_8 : vector<1x128xf32> to vector<64x128xf32>
    %add3A_9 = arith.addf %dot_general3A_5, %add3A : vector<64x128xf32>
    %max3A = arith.constant 0.000000e+00 : f32
    %max3A_10 = vector.broadcast %max3A : f32 to vector<64x128xf32>
    %max3A_11 = arith.maximumf %add3A_9, %max3A_10 : vector<64x128xf32>
    %get3A_12 = arith.constant 0 : index
    %get3A_13 = arith.constant 0 : index
    %get3A_14 = vector.load %arg4[%get3A_12, %get3A_13] : memref<128x64xf32, #tpu.memory_space<vmem>>, vector<128x64xf32>
    %dot_general3A_15 = arith.constant dense<0.000000e+00> : vector<64x64xf32>
    %dot_general3A_16 = tpu.matmul %max3A_11, %get3A_14, %dot_general3A_15 {dimension_numbers = #tpu.dot_dimension_numbers<[1], [0], [0], [1], [0, 0, 1, 1], [], []>, transpose_lhs_hint = false} : vector<64x128xf32>, vector<128x64xf32>, vector<64x64xf32> -> vector<64x64xf32>
    %get3A_17 = arith.constant 0 : index
    %get3A_18 = arith.constant 0 : index
    %get3A_19 = vector.load %arg5[%get3A_17, %get3A_18] : memref<1x64xf32, #tpu.memory_space<vmem>>, vector<1x64xf32>
    %add3A_20 = vector.broadcast %get3A_19 : vector<1x64xf32> to vector<64x64xf32>
    %add3A_21 = arith.addf %dot_general3A_16, %add3A_20 : vector<64x64xf32>
    %add3A_22 = arith.addf %get3A_1, %add3A_21 : vector<64x64xf32>
    %reduce_sum3A = arith.constant dense<0.000000e+00> : vector<64xf32>
    %reduce_sum3A_23 = vector.multi_reduction <add>, %add3A_22, %reduce_sum3A [1] : vector<64x64xf32> to vector<64xf32>
    %broadcast_in_dim3A = vector.shape_cast %reduce_sum3A_23 : vector<64xf32> to vector<64x1xf32>
    %div3A = arith.constant 6.400000e+01 : f32
    %div3A_24 = vector.broadcast %div3A : f32 to vector<64x1xf32>
    %div3A_25 = arith.divf %broadcast_in_dim3A, %div3A_24 : vector<64x1xf32>
    %sub3A = vector.broadcast %div3A_25 : vector<64x1xf32> to vector<64x64xf32>
    %sub3A_26 = arith.subf %add3A_22, %sub3A : vector<64x64xf32>
    %sub3A_27 = vector.broadcast %div3A_25 : vector<64x1xf32> to vector<64x64xf32>
    %sub3A_28 = arith.subf %add3A_22, %sub3A_27 : vector<64x64xf32>
    %mul3A = arith.mulf %sub3A_26, %sub3A_28 : vector<64x64xf32>
    %reduce_sum3A_29 = arith.constant dense<0.000000e+00> : vector<64xf32>
    %reduce_sum3A_30 = vector.multi_reduction <add>, %mul3A, %reduce_sum3A_29 [1] : vector<64x64xf32> to vector<64xf32>
    %broadcast_in_dim3A_31 = vector.shape_cast %reduce_sum3A_30 : vector<64xf32> to vector<64x1xf32>
    %div3A_32 = arith.constant 6.400000e+01 : f32
    %div3A_33 = vector.broadcast %div3A_32 : f32 to vector<64x1xf32>
    %div3A_34 = arith.divf %broadcast_in_dim3A_31, %div3A_33 : vector<64x1xf32>
    %sub3A_35 = vector.broadcast %div3A_25 : vector<64x1xf32> to vector<64x64xf32>
    %sub3A_36 = arith.subf %add3A_22, %sub3A_35 : vector<64x64xf32>
    %add3A_37 = arith.constant 9.99999974E-6 : f32
    %add3A_38 = vector.broadcast %add3A_37 : f32 to vector<64x1xf32>
    %add3A_39 = arith.addf %div3A_34, %add3A_38 : vector<64x1xf32>
    %rsqrt3A = math.rsqrt %add3A_39 : vector<64x1xf32>
    %mul3A_40 = vector.broadcast %rsqrt3A : vector<64x1xf32> to vector<64x64xf32>
    %mul3A_41 = arith.mulf %sub3A_36, %mul3A_40 : vector<64x64xf32>
    %get3A_42 = arith.constant 0 : index
    %get3A_43 = arith.constant 0 : index
    %get3A_44 = vector.load %arg6[%get3A_42, %get3A_43] : memref<1x64xf32, #tpu.memory_space<vmem>>, vector<1x64xf32>
    %mul3A_45 = vector.broadcast %get3A_44 : vector<1x64xf32> to vector<64x64xf32>
    %mul3A_46 = arith.mulf %mul3A_41, %mul3A_45 : vector<64x64xf32>
    %get3A_47 = arith.constant 0 : index
    %get3A_48 = arith.constant 0 : index
    %get3A_49 = vector.load %arg7[%get3A_47, %get3A_48] : memref<1x64xf32, #tpu.memory_space<vmem>>, vector<1x64xf32>
    %add3A_50 = vector.broadcast %get3A_49 : vector<1x64xf32> to vector<64x64xf32>
    %add3A_51 = arith.addf %mul3A_46, %add3A_50 : vector<64x64xf32>
    %broadcast_in_dim3A_52 = vector.shape_cast %add3A_51 : vector<64x64xf32> to vector<64x1x64xf32>
    %broadcast_in_dim3A_53 = vector.shape_cast %broadcast_in_dim3A_52 : vector<64x1x64xf32> to vector<64x1x64xf32>
    %broadcast_in_dim3A_54 = vector.broadcast %broadcast_in_dim3A_53 : vector<64x1x64xf32> to vector<64x64x64xf32>
    %broadcast_in_dim3A_55 = vector.shape_cast %add3A_51 : vector<64x64xf32> to vector<1x64x64xf32>
    %broadcast_in_dim3A_56 = vector.shape_cast %broadcast_in_dim3A_55 : vector<1x64x64xf32> to vector<1x64x64xf32>
    %broadcast_in_dim3A_57 = vector.broadcast %broadcast_in_dim3A_56 : vector<1x64x64xf32> to vector<64x64x64xf32>
    %reshape3A = vector.shape_cast %broadcast_in_dim3A_54 : vector<64x64x64xf32> to vector<4096x64xf32>
    %reshape3A_58 = vector.shape_cast %broadcast_in_dim3A_57 : vector<64x64x64xf32> to vector<4096x64xf32>
    %concatenate3A = tpu.concatenate %reshape3A, %reshape3A_58 in 1 : vector<4096x64xf32>, vector<4096x64xf32> -> vector<4096x128xf32>
    %swap3A = arith.constant 0 : index
    %swap3A_59 = arith.constant 0 : index
    %swap3A_60 = vector.load %arg8[%swap3A, %swap3A_59] : memref<4096x128xf32, #tpu.memory_space<vmem>>, vector<4096x128xf32>
    tpu.vector_store %arg8[%swap3A, %swap3A_59], %concatenate3A {strides = array<i32>} : memref<4096x128xf32, #tpu.memory_space<vmem>>, vector<4096x128xf32>,
    %get3A_61 = arith.constant 0 : index
    %get3A_62 = arith.constant 0 : index
    %get3A_63 = vector.load %arg0[%get3A_61, %get3A_62] : memref<6400x128xi32, #tpu.memory_space<vmem>>, vector<6400x128xi32>
    %convert_element_type3A = arith.sitofp %get3A_63 : vector<6400x128xi32> to vector<6400x128xf32>
    %iota3A = tpu.iota {dimensions = array<i32: 0>} : vector<128x64xi32>
    %iota3A_64 = tpu.iota {dimensions = array<i32: 1>} : vector<128x64xi32>
    %mul3A_65 = arith.constant 2 : i32
    %mul3A_66 = vector.broadcast %mul3A_65 : i32 to vector<128x64xi32>
    %mul3A_67 = arith.muli %mul3A_66, %iota3A_64 : vector<128x64xi32>
    %eq3A = arith.cmpi eq, %iota3A, %mul3A_67 : vector<128x64xi32>
    %jit3A = arith.constant 1.000000e+00 : f32
    %jit3A_68 = arith.constant 0.000000e+00 : f32
    %broadcast_in_dim3A_69 = vector.broadcast %jit3A : f32 to vector<128x64xf32>
    %broadcast_in_dim3A_70 = vector.broadcast %jit3A_68 : f32 to vector<128x64xf32>
    %select_n3A = arith.select %eq3A, %broadcast_in_dim3A_69, %broadcast_in_dim3A_70 : vector<128x64xi1>, vector<128x64xf32>
    %mul3A_71 = arith.constant 2 : i32
    %mul3A_72 = vector.broadcast %mul3A_71 : i32 to vector<128x64xi32>
    %mul3A_73 = arith.muli %mul3A_72, %iota3A_64 : vector<128x64xi32>
    %add3A_74 = arith.constant 1 : i32
    %add3A_75 = vector.broadcast %add3A_74 : i32 to vector<128x64xi32>
    %add3A_76 = arith.addi %mul3A_73, %add3A_75 : vector<128x64xi32>
    %eq3A_77 = arith.cmpi eq, %iota3A, %add3A_76 : vector<128x64xi32>
    %jit3A_78 = arith.constant 1.000000e+00 : f32
    %jit3A_79 = arith.constant 0.000000e+00 : f32
    %broadcast_in_dim3A_80 = vector.broadcast %jit3A_78 : f32 to vector<128x64xf32>
    %broadcast_in_dim3A_81 = vector.broadcast %jit3A_79 : f32 to vector<128x64xf32>
    %select_n3A_82 = arith.select %eq3A_77, %broadcast_in_dim3A_80, %broadcast_in_dim3A_81 : vector<128x64xi1>, vector<128x64xf32>
    %dot_general3A_83 = arith.constant dense<0.000000e+00> : vector<6400x64xf32>
    %dot_general3A_84 = tpu.matmul %convert_element_type3A, %select_n3A, %dot_general3A_83 {dimension_numbers = #tpu.dot_dimension_numbers<[1], [0], [0], [1], [0, 0, 1, 1], [], []>, transpose_lhs_hint = false} : vector<6400x128xf32>, vector<128x64xf32>, vector<6400x64xf32> -> vector<6400x64xf32>
    %dot_general3A_85 = arith.constant dense<0.000000e+00> : vector<6400x64xf32>
    %dot_general3A_86 = tpu.matmul %convert_element_type3A, %select_n3A_82, %dot_general3A_85 {dimension_numbers = #tpu.dot_dimension_numbers<[1], [0], [0], [1], [0, 0, 1, 1], [], []>, transpose_lhs_hint = false} : vector<6400x128xf32>, vector<128x64xf32>, vector<6400x64xf32> -> vector<6400x64xf32>
    %mul3A_87 = arith.constant 6.400000e+01 : f32
    %mul3A_88 = vector.broadcast %mul3A_87 : f32 to vector<6400x64xf32>
    %mul3A_89 = arith.mulf %dot_general3A_84, %mul3A_88 : vector<6400x64xf32>
    %add3A_90 = arith.addf %mul3A_89, %dot_general3A_86 : vector<6400x64xf32>
    %convert_element_type3A_91 = arith.fptosi %add3A_90 : vector<6400x64xf32> to vector<6400x64xi32>
    %swap3A_92 = arith.constant 0 : index
    %swap3A_93 = arith.constant 0 : index
    %swap3A_94 = vector.load %arg9[%swap3A_92, %swap3A_93] : memref<6400x64xi32, #tpu.memory_space<vmem>>, vector<6400x64xi32>
    tpu.vector_store %arg9[%swap3A_92, %swap3A_93], %convert_element_type3A_91 {strides = array<i32>} : memref<6400x64xi32, #tpu.memory_space<vmem>>, vector<6400x64xi32>,
    return
  }
}

</mosaic_0001>

<sc_bundles>
// kernel: kernel.4.cloned.1.call-start
scs
__scs_entry_jumppad:
0x0: {  	(pc) =	sbr.rel $0x88, $3  }
0x1: {  	(tag) =	ssettag $0x0;
	lr =	simm.s32 $0x1  }
0x2: {  	[smem:$0x3F99] =	sst lr;
	_ =	strace $0xD0000000  }
0x3: {  	_ = 	snop  }
0x4: {  	_ = 	snop  }
0x5: {  	_ = 	snop  }
0x6: {  	_ = 	snop  }
0x7: {  	_ = 	snop  }
__scs_overlays_trampoline_lowered:
0x8: {  	[smem:$0x3FA8] =	sst s0  }
0x9: {  	[smem:$0x3FA9] =	sst s1  }
0xa: {  	[smem:$0x3FAA] =	sst s2  }
0xb: {  	[smem:$0x3FAB] =	sst s3  }
0xc: {  	[smem:$0x3FAC] =	sst s4  }
0xd: {  	[smem:$0x3FAD] =	sst s5  }
0xe: {  	[smem:$0x3FAE] =	sst s6  }
0xf: {  	[smem:$0x3FAF] =	sst s7  }
0x10: {  	[smem:$0x3FB0] =	sst s8  }
0x11: {  	[smem:$0x3FB1] =	sst s9;
	s0 =	simm.s32 @!p0 $0x0  }
0x12: {  	s1 =	sld [smem:$0x3F97];
	s0 =	simm.s32 @p0 $0x1  }
0x13: {  	[smem:$0x3FB2] =	sst s0;
	s0 =	simm.s32 @!p1 $0x0  }
0x14: {  	s2 =	sld [smem:$0x3F96];
	s0 =	simm.s32 @p1 $0x1  }
0x15: {  	[smem:$0x3FB3] =	sst s0;
	s0 =	simm.s32 @!p2 $0x0  }
0x16: {  	s3 =	sld [smem:$0x3FDB];
	s0 =	simm.s32 @p2 $0x1  }
0x17: {  	s4 =	simm.s32 $0x1BF5;
	[smem:$0x3FB5] =	sst s0  }
0x18: {  	s0 =	sld [smem:$0x3F98];
	_ =	swait.ge [sflag:s4], $0x0  }
0x19: {  	s7 =	sld [smem:$0x3F99]  }
0x1a: {  	s8 =	sadd.s32 $0xFFFFE003, lr  }
0x1b: {  	s9 =	sadd.s32 $0xFFFFFEF7, lr;
	s5 =	simm.s32 $0xFFFFFFFF;
	p2 =	slt.u32 s8, $0xFFFFF086  }
0x1c: {  	p1 =	slt.u32 s9, $0xF7A;
	s5 =	simm.s32 @!p2 $0x0  }
0x1d: {  	s5 =	simm.s32 @p1 $0x1;
	p0 =	seq.s32 s7, s2  }
0x1e: {  	s7 =	smul.u32 @!p0 $0xF7A, s2;
	p2 =	seq.s32 @!p0 s5, $0x0  }
0x1f: {  	s9 =	smul.u32 $0xF7A, s1;
	s8 =	simm.s32 @!p0 $0x1BF5;
	p2 =	por !p2, p0  }
0x20: {  	[sflag:s8] =	ssyncset.s32 @!p0 $0xFFFFF086;
	s6 =	sadd.s32 @!p0 s3, s7;
	s7 =	simm.s32 @!p0 $0x108  }
0x21: {  	s3 =	sadd.s32 s3, s9;
	s6 =	sadd.s32 @!p0 $0x88, s6;
	s7 =	simm.s32 @p2 $0x1082  }
0x22: {  	[simem:s7], [sflag:s8] =	dma.local @!p0 [hbm:s6], $0xF7A  }
0x23: {  	s9 =	sor.u32 $0xD0000000, s2;
	s6 =	simm.s32 $0x108;
	_ =	swait.ge @!p0 [sflag:s8], $0x0  }
0x24: {  	s3 =	sadd.s32 $0x88, s3;
	s6 =	simm.s32 @!p1 $0x1082;
	[sflag:s4] =	ssyncset.s32 $0xFFFFF086  }
0x25: {  	[simem:s6], [sflag:s4] =	dma.local [hbm:s3], $0xF7A  }
0x26: {  	[smem:$0x3F99] =	sst s1;
	(tag) =	ssettag s2;
	_ =	strace s9  }
0x27: {  	s1 =	sld [smem:$0x3FA9]  }
0x28: {  	s2 =	sld [smem:$0x3FAA]  }
0x29: {  	s4 =	sld [smem:$0x3FAC]  }
0x2a: {  	p0 =	seq.s32 s5, $0x0;
	s5 =	sld [smem:$0x3FAD]  }
0x2b: {  	s6 =	sld [smem:$0x3FAE]  }
0x2c: {  	s7 =	sld [smem:$0x3FAF]  }
0x2d: {  	s3 =	simm.s32 $0x108;
	s8 =	sld [smem:$0x3FB0]  }
0x2e: {  	s3 =	simm.s32 @!p0 $0x1082;
	s9 =	sld [smem:$0x3FB1]  }
0x2f: {  	lr =	sadd.s32 s0, s3;
	s0 =	sld [smem:$0x3FA8]  }
0x30: {  	s3 =	sld [smem:$0x3FAB]  }
0x31: {  	[smem:$0x3FB4] =	sst s10  }
0x32: {  	s10 =	sld [smem:$0x3FB2];
	_ =	sdelay $0x3  }
0x33: {  	p0 =	seq.s32 s10, $0x1;
	s10 =	sld [smem:$0x3FB4];
	_ =	sdelay $0x3  }
0x34: {  	[smem:$0x3FB4] =	sst s10  }
0x35: {  	s10 =	sld [smem:$0x3FB3];
	_ =	sdelay $0x3  }
0x36: {  	p1 =	seq.s32 s10, $0x1;
	s10 =	sld [smem:$0x3FB4];
	_ =	sdelay $0x3  }
0x37: {  	[smem:$0x3FB4] =	sst s10  }
0x38: {  	s10 =	sld [smem:$0x3FB5]  }
0x39: {  	_ = 	snop;
	(pc) =	sbr.ind lr, $3  }
0x3a: {  	_ = 	snop  }
0x3b: {  	_ = 	snop  }
0x3c: {  	p2 =	seq.s32 s10, $0x1;
	s10 =	sld [smem:$0x3FB4]  }
0x3d: {  	_ =	shalt  }
0x3e: {  	_ =	shalt  }
0x3f: {  	_ =	shalt  }
0x40: {  	_ =	shalt  }
0x41: {  	_ =	shalt  }
0x42: {  	_ =	shalt  }
0x43: {  	_ =	shalt  }
0x44: {  	_ =	shalt  }
0x45: {  	_ =	shalt  }
0x46: {  	_ =	shalt  }
0x47: {  	_ =	shalt  }
0x48: {  	_ =	shalt  }
0x49: {  	_ =	shalt  }
0x4a: {  	_ =	shalt  }
0x4b: {  	_ =	shalt  }
0x4c: {  	_ =	shalt  }
0x4d: {  	_ =	shalt  }
0x4e: {  	_ =	shalt  }
0x4f: {  	_ =	shalt  }
0x50: {  	_ =	shalt  }
0x51: {  	_ =	shalt  }
0x52: {  	_ =	shalt  }
0x53: {  	_ =	shalt  }
0x54: {  	_ =	shalt  }
0x55: {  	_ =	shalt  }
0x56: {  	_ =	shalt  }
0x57: {  	_ =	shalt  }
0x58: {  	_ =	shalt  }
0x59: {  	_ =	shalt  }
0x5a: {  	_ =	shalt  }
0x5b: {  	_ =	shalt  }
0x5c: {  	_ =	shalt  }
0x5d: {  	_ =	shalt  }
0x5e: {  	_ =	shalt  }
0x5f: {  	_ =	shalt  }
0x60: {  	_ =	shalt  }
0x61: {  	_ =	shalt  }
0x62: {  	_ =	shalt  }
0x63: {  	_ =	shalt  }
0x64: {  	_ =	shalt  }
0x65: {  	_ =	shalt  }
0x66: {  	_ =	shalt  }
0x67: {  	_ =	shalt  }
0x68: {  	_ =	shalt  }
0x69: {  	_ =	shalt  }
0x6a: {  	_ =	shalt  }
0x6b: {  	_ =	shalt  }
0x6c: {  	_ =	shalt  }
0x6d: {  	_ =	shalt  }
0x6e: {  	_ =	shalt  }
0x6f: {  	_ =	shalt  }
0x70: {  	_ =	shalt  }
0x71: {  	_ =	shalt  }
0x72: {  	_ =	shalt  }
0x73: {  	_ =	shalt  }
0x74: {  	_ =	shalt  }
0x75: {  	_ =	shalt  }
0x76: {  	_ =	shalt  }
0x77: {  	_ =	shalt  }
0x78: {  	_ =	shalt  }
0x79: {  	_ =	shalt  }
0x7a: {  	_ =	shalt  }
0x7b: {  	_ =	shalt  }
0x7c: {  	_ =	shalt  }
0x7d: {  	_ =	shalt  }
0x7e: {  	_ =	shalt  }
0x7f: {  	_ =	shalt  }
0x80: {  	_ =	shalt  }
0x81: {  	_ =	shalt  }
0x82: {  	_ =	shalt  }
0x83: {  	_ =	shalt  }
0x84: {  	_ =	shalt  }
0x85: {  	_ =	shalt  }
0x86: {  	_ =	shalt  }
0x87: {  	_ =	shalt  }
.Lfunc_end0:
.L_simem_size_0:
called_computation.1_lowered:
.L_overlay_start_0:
0x88: {  	s2 =	sld [smem:$0x3FD9]  }
0x89: {  	s3 =	sld [smem:$0x3FFE];
	_ =	sdelay $0x1  }
0x8a: {  	s1 =	srdreg.scid  }
0x8b: {  	s0 =	sand.u32 $0x1, s1  }
0x8c: {  	s17 =	sshll.u32 s0, $0xA;
	s2 =	sadd.s32 s3, s2  }
0x8d: {  	s2 =	sadd.s32 s2, s17  }
0x8e: {  	[smem:$0x3FC0] =	sst s2  }
0x8f: {  	_ = 	snop  }
0x90: {  	s2 =	sld [smem:$0x3FD0];
	(tm) =	ssettm $0x1  }
0x91: {  	s18 =	sld [smem:$0x3FFB];
	_ =	sdelay $0x3  }
0x92: {  	_ =	strace s18  }
0x93: {  	s3 =	sld [smem:$0x3FFC];
	_ =	sdelay $0x3  }
0x94: {  	_ =	strace s3  }
0x95: {  	s3 =	sld [smem:$0x3FFD];
	_ =	sdelay $0x3  }
0x96: {  	_ =	strace s3  }
0x97: {  	_ =	strace $0x8FFFFFFF  }
0x98: {  	s19 =	sld [smem:$0x3FDB];
	_ =	sdelay $0x1  }
0x99: {  	s4 =	simm.s32 $_scs_section_size  }
0x9a: {  	s5 =	simm.s32 $_size__tile_overlayer_lowered;
	s6 =	simm.s32 $_tile_overlayer_lowered  }
0x9b: {  	s22 =	simm.s32 $0x1BFF;
	s21 =	sshll.u32 s6, $0x1;
	s3 =	sadd.s32 s4, s19  }
0x9c: {  	s7 =	simm.s32 $0x0;
	s20 =	sshll.u32 s5, $0x1;
	s5 =	sadd.s32 s21, s3  }
0x9d: {  	[timem:s7], [sflag:s22] =	dma.local [hbm:s5], s20  }
0x9e: {  	_ =	swait.ge [sflag:s22], s20  }
0x9f: {  	s4 =	ssub.s32 $0x0, s20;
	[sflag:s22] =	ssyncset.done $0x0  }
0xa0: {  	[sflag:s22] =	ssyncadd.s32 s4;
	_ =	sdelay $0x1  }
0xa1: {  	s23 =	simm.s32 $0x1B8B  }
0xa2: {  	_ =	swait.ge [sflag:s23], $0x1  }
0xa3: {  	[sflag:s23] =	ssyncset.done $0x0  }
0xa4: {  	s25 =	simm.s32 $0x1B8E;
	s24 =	sld [smem:$0x3FFE];
	[sflag:s23] =	ssyncadd.s32 $0xFFFFFFFF  }
0xa5: {  	s26 =	simm.s32 $execute0_lowered;
	[smem:$0x3FD2] =	sst s25  }
0xa6: {  	s5 =	sshll.u32 s26, $0x1;
	_ =	strace $0x80000046;
	[dreg:$0x1] =	wrdreg $0xFFFFFFFF  }
0xa7: {  	s28 =	simm.s32 $_size_execute0_lowered;
	s3 =	sadd.s32 s3, s5;
	[dreg:$0x0] =	wrdreg $0x0  }
0xa8: {  	s5 =	sshll.u32 s28, $0x1;
	[dreg:$0x2] =	wrdreg s3  }
0xa9: {  	[dreg:$0x3] =	wrdreg s5  }
0xaa: {  	[dreg:$0x4] =	wrdreg $0xC0  }
0xab: {  	_ =	task [dreg:s7], $0x5FFFF  }
0xac: {  	[dreg:$0x1] =	wrdreg $0xFFFFFFFF  }
0xad: {  	[dreg:$0x0] =	wrdreg $0x60  }
0xae: {  	[dreg:$0x2] =	wrdreg s24  }
0xaf: {  	[dreg:$0x3] =	wrdreg s2  }
0xb0: {  	[dreg:$0x4] =	wrdreg $0x9  }
0xb1: {  	_ =	task.clear_ibuf [dreg:s7], $0x5FFFF;
	_ =	strace $0x90000046  }
0xb2: {  	s29 =	simm.s32 $0x9;
	_ =	strace $0x80000048  }
0xb3: {  	_ =	swait.ge [sflag:s29], $0x1  }
0xb4: {  	[sflag:s29] =	ssyncadd.s32 $0xFFFFFFFF  }
0xb5: {  	_ =	strace $0x90000048  }
0xb6: {  	_ =	sfence  }
0xb7: {  	s30 =	sld [smem:$0x0];
	_ =	sdelay $0x2  }
0xb8: {  	s31 =	sshll.u32 s1, $0xD;
	s1 =	sshrl.u32 s1, $0x2  }
0xb9: {  	s3 =	sand.u32 $0x4000, s31;
	s1 =	sadd.s32 s1, s30  }
0xba: {  	s0 =	sor.u32 s3, s0;
	s1 =	sshll.u32 s1, $0x11  }
0xbb: {  	s0 =	sor.u32 s1, s0  }
0xbc: {  	s0 =	sadd.s32 $0x8F2B, s0  }
0xbd: {  	[sflag:s0] =	ssyncadd.remote.s32 $0x1  }
0xbe: {  	_ =	sfence.sel $0xFFFF  }
0xbf: {  	[dreg:$0x0] =	wrdreg $0xFFFFFFFF;
	(pc) =	sbr.abs _section_cstart, $3  }
0xc0: {  	[dreg:$0x1] =	wrdreg $0xFFFFFFFF  }
0xc1: {  	_ =	task.clear_ibuf [dreg:s7], $0x2FFFF;
	_ =	strace $0x9FFFFFFF  }
0xc2: {  	(tm) =	ssettm $0x7FFFFFFF  }
0xc3: {  	_ =	shalt  }
tec
execute0_lowered:
.L_overlay_start_1:
0x0: {  	(tag) =	ssettag $0x1  }
0x1: {  	s4 =	rddreg [dreg:$0x0];
	s1 =	srdreg.scid  }
0x2: {  	s0 =	stileid.u32;
	s2 =	rddreg [dreg:$0x1];
	s3 =	simm.s32 $0x0  }
0x3: {  	s9 =	simm.s32 $0x1;
	s10 =	simm.s32 $0x2;
	s11 =	simm.s32 $0x80  }
0x4: {  	s12 =	simm.s32 $0x0;
	s5 =	sand.u32 $0x1, s1;
	s6 =	sshll.u32 s0, $0x1  }
.Ltmp0:
0x5: {  	s1 =	rddreg [dreg:$0x2];
	s6 =	sor.u32 s5, s6;
	(pc) =	sbr.rel .LBB2_1-.Ltmp0, $4  }
0x6: {  	[smem:$0x7FF] =	sst s3;
	s5 =	ssub.s32 $0x2, s5;
	s7 =	smul.u32 $0x640, s6  }
0x7: {  	_ =	strace $0x80000047;
	s8 =	sshrl.u32 s5, $0x1;
	s6 =	smul.u32 $0x320000, s6  }
0x8: {  	s8 =	ssub.s32 s5, s8;
	s7 =	sadd.s32 s7, s4;
	s4 =	sadd.s32 $0xE000, s4  }
0x9: {  	s5 =	sadd.s32 $0x1800, s7;
	s7 =	smax.u32 s8, $0x1;
	s8 =	simm.s32 $0x3  }
.LBB2_12:
0xa: {  	_ =	swait.ge [sflag:s10], $0x2000  }
0xb: {  	[sflag:s10] =	ssyncset.done $0x0  }
0xc: {  	[sflag:s10] =	ssyncadd.s32 $0xFFFFE000  }
0xd: {  	_ =	swait.ge [sflag:s10], $0x2000  }
0xe: {  	[sflag:s10] =	ssyncset.done $0x0  }
0xf: {  	[sflag:s10] =	ssyncadd.s32 $0xFFFFE000  }
0x10: {  	_ =	swait.ge [sflag:s10], $0x2000  }
0x11: {  	[sflag:s10] =	ssyncset.done $0x0  }
0x12: {  	[sflag:s10] =	ssyncadd.s32 $0xFFFFE000  }
0x13: {  	_ =	swait.ge [sflag:s10], $0x2000  }
0x14: {  	[sflag:s10] =	ssyncset.done $0x0  }
0x15: {  	s12 =	sadd.s32 $0x1, s12;
	[sflag:s10] =	ssyncadd.s32 $0xFFFFE000  }
0x16: {  	p0 =	sne.s32 s12, s7;
	_ =	swait.ge [sflag:s10], $0x2000  }
.Ltmp1:
0x17: {  	[sflag:s10] =	ssyncset.done $0x0;
	(pc) =	sbr.rel @!p0 .LBB2_13-.Ltmp1, $4  }
0x18: {  	[sflag:s10] =	ssyncadd.s32 $0xFFFFE000  }
0x19: {  	_ =	swait.ge [sflag:s10], $0x2000  }
0x1a: {  	[sflag:s10] =	ssyncset.done $0x0  }
0x1b: {  	[sflag:s10] =	ssyncadd.s32 $0xFFFFE000  }
.LBB2_1:
.Ltmp2:
0x1c: {  	(pc) =	sbr.rel .LBB2_2-.Ltmp2, $4  }
0x1d: {  	[tilespmem:s3], [sflag:$0x3] =	stream.linear.gather [hbm4b:s5+s3], $0x3200, $0x38;
	[tilespmem:$0xF200] =	vst v63  }
0x1e: {  	_ =	swait.ge [sflag:s8], $0x3200  }
0x1f: {  	[sflag:s8] =	ssyncset.done $0x0  }
0x20: {  	s13 =	simm.s32 $0xFF;
	s14 =	simm.s32 $0x0;
	[sflag:s8] =	ssyncadd.s32 $0xFFFFCE00  }
.LBB2_11:
0x21: {  	s14 =	sadd.s32 $0x1, s14  }
0x22: {  	p0 =	sne.s32 s14, $0x65  }
.Ltmp3:
0x23: {  	_ = 	snop;
	(pc) =	sbr.rel @!p0 .LBB2_12-.Ltmp3, $2  }
0x24: {  	_ =	sdelay $0x2  }
0x25: {  	s13 =	sadd.s32 $0x1, s13  }
.LBB2_2:
0x26: {  	p0 =	seq.s32 s14, $0x64  }
.Ltmp4:
0x27: {  	_ = 	snop;
	(pc) =	sbr.rel @p0 .LBB2_6-.Ltmp4, $1  }
0x28: {  	_ =	sdelay $0x3  }
0x29: {  	s15 =	smul.u32 $0xAB, s14;
	_ =	sdelay $0x1  }
0x2a: {  	p0 =	slt.u32 s14, $0x3;
	s15 =	sshrl.u32 s15, $0x9  }
.Ltmp5:
0x2b: {  	s15 =	sand.u32 $0x7F, s15;
	(pc) =	sbr.rel @p0 .LBB2_5-.Ltmp5, $3  }
0x2c: {  	s15 =	smul.u32 $0x3, s15;
	_ =	sdelay $0x1  }
0x2d: {  	s15 =	ssub.s32 s14, s15  }
0x2e: {  	s15 =	sand.u32 $0xFF, s15  }
0x2f: {  	_ =	swait.ge [sflag:s10], $0x2000  }
0x30: {  	[sflag:s10] =	ssyncset.done $0x0  }
.Ltmp6:
0x31: {  	[sflag:s10] =	ssyncadd.s32 $0xFFFFE000;
	(pc) =	sbr.rel .LBB2_6-.Ltmp6, $4  }
0x32: {  	_ =	swait.ge [sflag:s10], $0x2000  }
0x33: {  	s15 =	sshll.u32 s15, $0xE;
	s16 =	sshll.u32 s14, $0x7;
	[sflag:s10] =	ssyncset.done $0x0  }
0x34: {  	s15 =	sor.u32 $0x3200, s15;
	s16 =	sand.u32 $0x3FFFFF80, s16;
	[sflag:s10] =	ssyncadd.s32 $0xFFFFE000  }
0x35: {  	[tilespmem:s15], [sflag:$0x1] =	stream.indirect.gather [hbm4b:s2+s11], $0x80, s16, s11, $0xb8;
	[tilespmem:$0xF200] =	vst v63  }
.LBB2_5:
0x36: {  	p0 =	seq.s32 s14, $0x0  }
.Ltmp7:
0x37: {  	_ = 	snop;
	(pc) =	sbr.rel @p0 .LBB2_11-.Ltmp7, $4  }
0x38: {  	_ = 	snop  }
0x39: {  	s15 =	sshll.u32 s15, $0xE;
	s16 =	sshll.u32 s14, $0x7  }
0x3a: {  	s15 =	sor.u32 $0x3200, s15;
	s16 =	sand.u32 $0x3FFFFF80, s16  }
0x3b: {  	[tilespmem:s15], [sflag:$0x1] =	stream.indirect.gather [hbm4b:s2+s11], $0x80, s16, s11, $0xb8;
	[tilespmem:$0xF200] =	vst v63  }
.LBB2_6:
0x3c: {  	s15 =	sand.u32 $0xFF, s13  }
0x3d: {  	s16 =	smulhi.u32 $0x55555556, s15;
	_ =	sdelay $0x1  }
0x3e: {  	s17 =	sshll.u32 s14, $0xF;
	s16 =	smul.u32 $0x30000, s16  }
0x3f: {  	_ =	swait.ge [sflag:s9], $0x4000;
	s15 =	sshll.u32 s15, $0x10;
	s30 =	sadd.s32 s6, s17  }
0x40: {  	s18 =	simm.s32 $0x20;
	s15 =	ssub.s32 s15, s16;
	s16 =	sadd.s32 $0xFFFF8000, s30  }
0x41: {  	[sflag:s9] =	ssyncset.done $0x0;
	s31 =	sshra.s32 s15, $0x2;
	s16 =	sshrl.u32 s16, $0x3  }
0x42: {  	[sflag:s9] =	ssyncadd.s32 $0xFFFFC000;
	s17 =	sor.u32 $0x3200, s31;
	s16 =	sadd.s32 s4, s16  }
0x43: {  	s15 =	sor.u32 $0x3240, s31;
	s20 =	sadd.s32 $0x0, s16;
	s19 =	sadd.s32 $0x80, s17  }
.LBB2_7:
0x44: {  	[hbm4b:s20+s3] =	stream.linear.scatter [tilespmem:s17], [sflag:$0x2], $0x40, $0x38;
	[tilespmem:$0xF200] =	vst v63  }
0x45: {  	s20 =	smov.u32 s18;
	s17 =	smov.u32 s19;
	p0 =	sne.s32 s18, $0xFE0  }
.Ltmp8:
0x46: {  	s18 =	sadd.s32 $0x20, s18;
	(pc) =	sbr.rel @p0 .LBB2_7-.Ltmp8, $2  }
0x47: {  	_ =	sdelay $0x2  }
0x48: {  	s19 =	sadd.s32 $0x80, s19;
	s20 =	sadd.s32 s20, s16  }
0x49: {  	[hbm4b:s20+s3] =	stream.linear.scatter [tilespmem:s17], [sflag:$0x2], $0x40, $0x38;
	[tilespmem:$0xF200] =	vst v63  }
0x4a: {  	s16 =	sadd.s32 $0x10, s16  }
0x4b: {  	s17 =	simm.s32 $0x20;
	s18 =	sadd.s32 $0x80, s15;
	s19 =	sadd.s32 $0x0, s16  }
.LBB2_9:
0x4c: {  	[hbm4b:s19+s3] =	stream.linear.scatter [tilespmem:s15], [sflag:$0x2], $0x40, $0x38;
	[tilespmem:$0xF200] =	vst v63  }
0x4d: {  	s19 =	smov.u32 s17;
	s15 =	smov.u32 s18;
	p0 =	sne.s32 s17, $0xFE0  }
.Ltmp9:
0x4e: {  	s17 =	sadd.s32 $0x20, s17;
	(pc) =	sbr.rel @p0 .LBB2_9-.Ltmp9, $2  }
0x4f: {  	_ =	sdelay $0x2  }
0x50: {  	s18 =	sadd.s32 $0x80, s18;
	s19 =	sadd.s32 s19, s16  }
.Ltmp10:
0x51: {  	(pc) =	sbr.rel .LBB2_11-.Ltmp10, $2  }
0x52: {  	_ =	sdelay $0x2  }
0x53: {  	[hbm4b:s19+s3] =	stream.linear.scatter [tilespmem:s15], [sflag:$0x2], $0x40, $0x38;
	[tilespmem:$0xF200] =	vst v63  }
.LBB2_13:
0x54: {  	_ =	sfence.sel $0x180000  }
0x55: {  	[bflag:$0x0] =	sbarrier.arrive $0xFFFF  }
0x56: {  	p0 =	sne.s32 s0, $0x0;
	_ =	strace $0x90000047  }
0x57: {  	s0 =	sadd.s32 @!p0 $0x100000, s1;
	[bflag:$0x2] =	sbarrier.arrive $0xFFFF  }
0x58: {  	[sflag:s0] =	ssyncadd.tile.s32 @!p0 $0x1;
	_ =	shalt  }
.Lfunc_end2:
_tile_overlayer_lowered:
.L_overlay_start_2:
0x59: {  	(tag) =	ssettag $0x2  }
0x5a: {  	s0 =	rddreg [dreg:$0x0];
	s2 =	stileid.u32  }
0x5b: {  	s1 =	rddreg [dreg:$0x1];
	p0 =	sne.s32 s2, $0x0  }
0x5c: {  	s3 =	rddreg [dreg:$0x2];
	[bflag:$0x3] =	sbarrier.arrive $0xFFFF;
	s2 =	simm.s32 @!p0 $0x1C03  }
0x5d: {  	[timem:s3], [sflag:s2] =	dma.local @!p0 [hbm:s0], s1  }
0x5e: {  	s0 =	simm.s32 @!p0 $0x3  }
0x5f: {  	_ =	swait.ge @!p0 [sflag:s0], s1  }
0x60: {  	s1 =	ssub.s32 @!p0 $0x0, s1;
	[sflag:s0] =	ssyncset.done @!p0 $0x0  }
0x61: {  	[sflag:s0] =	ssyncadd.s32 @!p0 s1  }
0x62: {  	[bflag:$0x3] =	sbarrier.arrive $0xFFFF  }
0x63: {  	_ =	shalt  }

// kernel: sparse-core-data-format-call.cloned.1.call-start
scs
called_computation_lowered:
.L_overlay_start_0:
0x0: {  	s2 =	sld [smem:$0x3FD9]  }
0x1: {  	s3 =	sld [smem:$0x3FFE];
	_ =	sdelay $0x1  }
0x2: {  	s1 =	srdreg.scid  }
0x3: {  	s0 =	sand.u32 $0x1, s1  }
0x4: {  	s18 =	sshll.u32 s0, $0xA;
	s2 =	sadd.s32 s3, s2  }
0x5: {  	s2 =	sadd.s32 s2, s18  }
0x6: {  	[smem:$0x3FC0] =	sst s2  }
0x7: {  	_ = 	snop  }
0x8: {  	s2 =	sld [smem:$0x3FD0];
	(tm) =	ssettm $0x1  }
0x9: {  	s19 =	sld [smem:$0x3FFB];
	_ =	sdelay $0x3  }
0xa: {  	_ =	strace s19  }
0xb: {  	s3 =	sld [smem:$0x3FFC];
	_ =	sdelay $0x3  }
0xc: {  	_ =	strace s3  }
0xd: {  	s3 =	sld [smem:$0x3FFD];
	_ =	sdelay $0x3  }
0xe: {  	_ =	strace s3  }
0xf: {  	_ =	strace $0x8FFFFFFF  }
0x10: {  	s20 =	sld [smem:$0x3FDB];
	_ =	sdelay $0x1  }
0x11: {  	s4 =	simm.s32 $_scs_section_size  }
0x12: {  	s5 =	simm.s32 $_size__tile_overlayer_lowered;
	s6 =	simm.s32 $_tile_overlayer_lowered  }
0x13: {  	s23 =	simm.s32 $0x1BFF;
	s22 =	sshll.u32 s6, $0x1;
	s3 =	sadd.s32 s4, s20  }
0x14: {  	s7 =	simm.s32 $0x0;
	s21 =	sshll.u32 s5, $0x1;
	s5 =	sadd.s32 s22, s3  }
0x15: {  	[timem:s7], [sflag:s23] =	dma.local [hbm:s5], s21  }
0x16: {  	_ =	swait.ge [sflag:s23], s21  }
0x17: {  	s4 =	ssub.s32 $0x0, s21;
	[sflag:s23] =	ssyncset.done $0x0  }
0x18: {  	[sflag:s23] =	ssyncadd.s32 s4;
	_ =	sdelay $0x1  }
0x19: {  	s24 =	simm.s32 $0x1B8B  }
0x1a: {  	_ =	swait.ge [sflag:s24], $0x1  }
0x1b: {  	[sflag:s24] =	ssyncset.done $0x0  }
0x1c: {  	s26 =	simm.s32 $0x1B8E;
	s25 =	sld [smem:$0x3FFE];
	[sflag:s24] =	ssyncadd.s32 $0xFFFFFFFF  }
0x1d: {  	s27 =	simm.s32 $execute0_lowered;
	[smem:$0x3FD2] =	sst s26  }
0x1e: {  	s5 =	sshll.u32 s27, $0x1;
	_ =	strace $0x80000049;
	[dreg:$0x1] =	wrdreg $0xFFFFFFFF  }
0x1f: {  	s28 =	simm.s32 $_size_execute0_lowered;
	s3 =	sadd.s32 s3, s5;
	[dreg:$0x0] =	wrdreg $0x0  }
0x20: {  	s5 =	sshll.u32 s28, $0x1;
	[dreg:$0x2] =	wrdreg s3  }
0x21: {  	[dreg:$0x3] =	wrdreg s5  }
0x22: {  	[dreg:$0x4] =	wrdreg $0xC0  }
0x23: {  	_ =	task [dreg:s7], $0x5FFFF  }
0x24: {  	[dreg:$0x1] =	wrdreg $0xFFFFFFFF  }
0x25: {  	[dreg:$0x0] =	wrdreg $0x60  }
0x26: {  	[dreg:$0x2] =	wrdreg s25  }
0x27: {  	[dreg:$0x3] =	wrdreg s2  }
0x28: {  	[dreg:$0x4] =	wrdreg $0x9  }
0x29: {  	_ =	task.clear_ibuf [dreg:s7], $0x5FFFF;
	_ =	strace $0x90000049  }
0x2a: {  	s29 =	simm.s32 $0x9;
	_ =	strace $0x8000004B  }
0x2b: {  	_ =	swait.ge [sflag:s29], $0x1  }
0x2c: {  	[sflag:s29] =	ssyncadd.s32 $0xFFFFFFFF  }
0x2d: {  	_ =	strace $0x9000004B  }
0x2e: {  	_ =	sfence  }
0x2f: {  	s30 =	sld [smem:$0x0];
	_ =	sdelay $0x2  }
0x30: {  	s31 =	sshll.u32 s1, $0xD;
	s1 =	sshrl.u32 s1, $0x2  }
0x31: {  	s3 =	sand.u32 $0x4000, s31;
	s1 =	sadd.s32 s1, s30  }
0x32: {  	s0 =	sor.u32 s3, s0;
	s1 =	sshll.u32 s1, $0x11  }
0x33: {  	s0 =	sor.u32 s1, s0  }
0x34: {  	s0 =	sadd.s32 $0x8F2B, s0  }
0x35: {  	[sflag:s0] =	ssyncadd.remote.s32 $0x1  }
0x36: {  	_ =	sfence.sel $0xFFFF  }
0x37: {  	[dreg:$0x0] =	wrdreg $0xFFFFFFFF;
	(pc) =	sbr.abs _section_cstart, $3  }
0x38: {  	[dreg:$0x1] =	wrdreg $0xFFFFFFFF  }
0x39: {  	_ =	task.clear_ibuf [dreg:s7], $0x2FFFF;
	_ =	strace $0x9FFFFFFF  }
0x3a: {  	(tm) =	ssettm $0x7FFFFFFF  }
0x3b: {  	_ =	shalt  }
tec
execute0_lowered:
.L_overlay_start_1:
0x0: {  	(tag) =	ssettag $0x1  }
0x1: {  	s0 =	srdreg.scid  }
0x2: {  	s1 =	sshll.u32 s0, $0x4  }
0x3: {  	s0 =	stileid.u32;
	s1 =	sand.u32 $0x10, s1  }
0x4: {  	s1 =	sor.u32 s0, s1  }
0x5: {  	s6 =	rddreg [dreg:$0x0];
	s4 =	simm.s32 $0x1;
	s2 =	sshll.u32 s1, $0x7  }
0x6: {  	s7 =	simm.s32 $0x2;
	s12 =	simm.s32 $0x0;
	s1 =	ssub.s32 $0x1000, s2  }
0x7: {  	s8 =	simm.s32 $0x8000;
	s13 =	simm.s32 $0x0;
	s3 =	sand.u32 $0xF80, s1  }
0x8: {  	s9 =	simm.s32 $0x0;
	s5 =	sshrl.u32 s1, $0xC;
	p0 =	sne.s32 s3, $0x0  }
.Ltmp0:
0x9: {  	s1 =	rddreg [dreg:$0x2];
	s4 =	simm.s32 @!p0 $0x0;
	(pc) =	sbr.rel .LBB1_1-.Ltmp0, $4  }
0xa: {  	s11 =	simm.s32 $0x0;
	s3 =	rddreg [dreg:$0x1];
	s5 =	sadd.s32 s4, s5  }
0xb: {  	_ =	strace $0x8000004A;
	s4 =	simm.s32 $0x1;
	s5 =	smul.u32 $0xC8, s5  }
0xc: {  	s6 =	sadd.s32 $0xE000, s6;
	s10 =	smov.u32 s2;
	[sflag:s4] =	ssyncpa.u1 $0x0  }
0xd: {  	p0 =	por $0x0, $0x0;
	[sflag:s7] =	ssyncpa.u1 $0x0;
	s7 =	sor.u32 $0x1, s5  }
.LBB1_4:
0xe: {  	s16 =	sshll.u32 s13, $0x3;
	s17 =	sand.u32 $0x78, s13  }
0xf: {  	s30 =	sand.u32 $0x7E00, s13;
	s12 =	sshll.u32 s12, $0xF;
	s16 =	sand.u32 $0xC00, s16  }
0x10: {  	[tilespmem:s15+$0x810 ss:$0x81] =	vst.msk $0xffff, v2;
	s31 =	sand.u32 $0x7, s13;
	s16 =	sor.u32 s17, s16;
	s17 =	sadd.s32 s3, s30  }
0x11: {  	[tilespmem:s15+$0x1020 ss:$0x81] =	vst.msk $0xffff, v0;
	s13 =	sshll.u32 s31, $0x12;
	s12 =	sadd.s32 s12, s17;
	s16 =	sshrl.u32 s16, $0x3  }
0x12: {  	[tilespmem:s15+$0x0 ss:$0x81] =	vst.msk $0xffff, v1;
	s13 =	sor.u32 $0x400, s13;
	s12 =	sadd.s32 s16, s12  }
0x13: {  	[hbm4b:s12+s13] =	stream.strided.scatter [tilespmem:s14], [sflag:$0x2], $0x2000, s8, s13, $0x20;
	[tilespmem:$0x8080] =	vst v63  }
.LBB1_5:
0x14: {  	s14 =	sadd.s32 $0x1, s9  }
0x15: {  	s12 =	sadd.s32 $0x1000, s10;
	s16 =	smov.u32 s10;
	p2 =	sgt.s32 s14, $0xC7  }
0x16: {  	s16 =	smov.u32 @p2 s12  }
0x17: {  	s14 =	simm.s32 @p2 $0x0;
	p2 =	sgt.s32 s16, $0xFFF  }
0x18: {  	s16 =	smov.u32 @p2 s2;
	p2 =	sne.s32 s11, s7  }
.Ltmp1:
0x19: {  	p1 =	slt.u32 s11, $0x2;
	(pc) =	sbr.rel @!p2 .LBB1_6-.Ltmp1, $4  }
0x1a: {  	s15 =	simm.s32 @!p1 $0x2  }
0x1b: {  	s13 =	smov.u32 s10;
	p0 =	por !p0, !p0;
	_ =	swait.ge @!p1 [sflag:s15], $0x2000  }
0x1c: {  	s12 =	smov.u32 s9;
	[sflag:s15] =	ssyncset.done @!p1 $0x0;
	s9 =	smov.u32 s14  }
0x1d: {  	s11 =	sadd.s32 $0x1, s11;
	[sflag:s15] =	ssyncadd.s32 @!p1 $0xFFFFE000;
	s10 =	smov.u32 s16  }
.LBB1_1:
0x1e: {  	p1 =	sge.u32 s11, s5  }
0x1f: {  	s14 =	sand.u32 @!p1 $0x1FFFFFF, s9  }
0x20: {  	s15 =	smulhi.u32 @!p1 $0x147AE15, s14;
	_ =	sdelay $0x1  }
0x21: {  	s15 =	smul.u32 @!p1 $0xC8, s15  }
0x22: {  	s16 =	sxor.u32 @!p1 $0xFFFFFFFF, s11;
	s17 =	smul.u32 @!p1 $0xC80, s10  }
0x23: {  	s31 =	sadd.s32 $0xFFFFFFFF, s11;
	s16 =	sshll.u32 @!p1 s16, $0xD;
	s14 =	ssub.s32 @!p1 s14, s15  }
0x24: {  	s15 =	sand.u32 @!p1 $0x2000, s16;
	s16 =	sadd.s32 @!p1 s6, s17;
	s14 =	sshll.u32 @!p1 s14, $0x4  }
0x25: {  	s17 =	simm.s32 @!p1 $0x6400;
	s14 =	sadd.s32 @!p1 s14, s16;
	s16 =	simm.s32 @!p1 $0x40  }
0x26: {  	[tilespmem:s15], [sflag:$0x1] =	stream.strided.gather @!p1 [hbm4b:s14+s16], $0x2000, s17, s16, $0x38;
	[tilespmem:$0x8080] =	vst v63  }
0x27: {  	p1 =	sge.u32 s31, s5  }
.Ltmp2:
0x28: {  	_ = 	snop;
	(pc) =	sbr.rel @p1 .LBB1_5-.Ltmp2, $1  }
0x29: {  	_ =	sdelay $0x3  }
0x2a: {  	s14 =	simm.s32 $0x1  }
0x2b: {  	_ =	swait.ge [sflag:s4], $0x2000;
	s14 =	simm.s32 @!p0 $0x0  }
0x2c: {  	[sflag:s4] =	ssyncset.done $0x0;
	s15 =	sshll.u32 s14, $0xD  }
0x2d: {  	[sflag:s4] =	ssyncadd.s32 $0xFFFFE000;
	s18 =	sor.u32 $0x20, s15  }
0x2e: {  	s14 =	smul.u32 $0x8100, s14;
	v3 =	vld [tilespmem:s18+$0x10]  }
0x2f: {  	s30 =	sand.u32 $0x1, s11;
	v2 =	vld [tilespmem:s18+$0xFFFFFFF0]  }
0x30: {  	s15 =	smul.u32 $0x8100, s30;
	s14 =	sshrl.u32 s14, $0x2;
	v0 =	vld [tilespmem:s18+$0x0]  }
0x31: {  	v1 =	vld [tilespmem:s18+$0xFFFFFFE0];
	s16 =	sor.u32 $0x4000, s14  }
0x32: {  	s31 =	sshrl.u32 s15, $0x2;
	s15 =	sadd.s32 $0x0, s16  }
0x33: {  	s17 =	simm.s32 $0x4;
	s18 =	sadd.s32 $0x40, s18;
	s14 =	sor.u32 $0x4000, s31;
	[tilespmem:s15+$0x1830 ss:$0x81] =	vst.msk $0xffff, v3  }
.LBB1_3:
0x34: {  	v3 =	vld [tilespmem:s18+$0x10];
	p1 =	sne.s32 s17, $0x1FC;
	[tilespmem:s15+$0x810 ss:$0x81] =	vst.msk $0xffff, v2;
	s19 =	smov.u32 s17;
	s17 =	sadd.s32 $0x4, s17  }
.Ltmp3:
0x35: {  	v2 =	vld [tilespmem:s18+$0xFFFFFFF0];
	[tilespmem:s15+$0x1020 ss:$0x81] =	vst.msk $0xffff, v0;
	(pc) =	sbr.rel @p1 .LBB1_3-.Ltmp3, $4  }
0x36: {  	v0 =	vld [tilespmem:s18+$0x0];
	[tilespmem:s15+$0x0 ss:$0x81] =	vst.msk $0xffff, v1  }
0x37: {  	s15 =	sshra.s32 s19, $0x2;
	v1 =	vld [tilespmem:s18+$0xFFFFFFE0]  }
0x38: {  	s15 =	sadd.s32 s15, s16  }
0x39: {  	s18 =	sadd.s32 $0x40, s18;
	[tilespmem:s15+$0x1830 ss:$0x81] =	vst.msk $0xffff, v3  }
.Ltmp4:
0x3a: {  	_ = 	snop;
	(pc) =	sbr.rel .LBB1_4-.Ltmp4, $1  }
0x3b: {  	_ =	sdelay $0x3  }
.LBB1_6:
0x3c: {  	_ =	sfence.sel $0x180000  }
0x3d: {  	s2 =	simm.s32 $0x1;
	[bflag:$0x0] =	sbarrier.arrive $0xFFFF  }
0x3e: {  	s31 =	simm.s32 $0x2;
	[sflag:s2] =	ssyncpa.u1 $0x1  }
0x3f: {  	[sflag:s31] =	ssyncpa.u1 $0x1  }
0x40: {  	p0 =	sne.s32 s0, $0x0;
	_ =	strace $0x9000004A  }
0x41: {  	s0 =	sadd.s32 @!p0 $0x100000, s1;
	[bflag:$0x2] =	sbarrier.arrive $0xFFFF  }
0x42: {  	[sflag:s0] =	ssyncadd.tile.s32 @!p0 $0x1;
	_ =	shalt  }
.Lfunc_end1:
_tile_overlayer_lowered:
.L_overlay_start_2:
0x43: {  	(tag) =	ssettag $0x2  }
0x44: {  	s0 =	rddreg [dreg:$0x0];
	s2 =	stileid.u32  }
0x45: {  	s1 =	rddreg [dreg:$0x1];
	p0 =	sne.s32 s2, $0x0  }
0x46: {  	s3 =	rddreg [dreg:$0x2];
	[bflag:$0x3] =	sbarrier.arrive $0xFFFF;
	s2 =	simm.s32 @!p0 $0x1C01  }
0x47: {  	[timem:s3], [sflag:s2] =	dma.local @!p0 [hbm:s0], s1  }
0x48: {  	s0 =	simm.s32 @!p0 $0x1  }
0x49: {  	_ =	swait.ge @!p0 [sflag:s0], s1  }
0x4a: {  	s1 =	ssub.s32 @!p0 $0x0, s1;
	[sflag:s0] =	ssyncset.done @!p0 $0x0  }
0x4b: {  	[sflag:s0] =	ssyncadd.s32 @!p0 s1  }
0x4c: {  	[bflag:$0x3] =	sbarrier.arrive $0xFFFF  }
0x4d: {  	_ =	shalt  }

</sc_bundles>
